<compile_context>
chip_gen: v7x
topology: tpu7x:2x2x1
jax: 0.10.2.dev20260603
libtpu: 0.0.44.dev20260713+nightly
codegen_flags: <defaults>
</compile_context>

<pallas_src>
import functools

import jax
import jax.numpy as jnp
from jax import lax
from jax.experimental import pallas as pl
from jax.experimental.pallas import tpu as pltpu
from jax.experimental.pallas import tpu_sc as plsc

_VOCAB = 1000000
_EMBED_DIM = 16
_BATCH = 16384

_NUM_CORES = 2
_NUM_SUBCORES = 16
_NUM_WORKERS = _NUM_CORES * _NUM_SUBCORES
_B_PER_W = _BATCH // _NUM_WORKERS

_CHUNK = 2048
_FULL_CHUNKS = _VOCAB // _CHUNK
_REM = _VOCAB - _FULL_CHUNKS * _CHUNK
_TAIL1 = 512
_TAIL1_OFF = _FULL_CHUNKS * _CHUNK
_TAIL2 = _REM - _TAIL1
_TAIL2_OFF = _TAIL1_OFF + _TAIL1
_ROUNDS = (_FULL_CHUNKS + _NUM_WORKERS - 1) // _NUM_WORKERS


@functools.partial(
    pl.kernel,
    mesh=plsc.VectorSubcoreMesh(core_axis_name="c", subcore_axis_name="s"),
    out_type=jax.ShapeDtypeStruct((_VOCAB * _EMBED_DIM,), jnp.float32),
    scratch_types=[
        pltpu.VMEM((_EMBED_DIM, _CHUNK), jnp.float32),
        pltpu.VMEM((_CHUNK * _EMBED_DIM,), jnp.float32),
    ],
    compiler_params=pltpu.CompilerParams(needs_layout_passes=False),
)
def _transpose_kernel(tableT_hbm, tailf_hbm, outf_hbm, in_v, flat_v):
    wid = lax.axis_index("s") * _NUM_CORES + lax.axis_index("c")
    rows = lax.iota(jnp.int32, _EMBED_DIM)

    def do_chunk(col0, width):
        pltpu.sync_copy(
            tableT_hbm.at[:, pl.ds(col0, width)], in_v.at[:, pl.ds(0, width)]
        )

        def body(j, carry):
            vals = plsc.load_gather(in_v, [rows, jnp.full((_EMBED_DIM,), j, jnp.int32)])
            flat_v[pl.ds(j * _EMBED_DIM, _EMBED_DIM)] = vals
            return carry

        lax.fori_loop(0, width, body, 0)
        pltpu.sync_copy(
            flat_v.at[pl.ds(0, width * _EMBED_DIM)],
            outf_hbm.at[pl.ds(col0 * _EMBED_DIM, width * _EMBED_DIM)],
        )

    def round_body(k, carry):
        chunk = wid + k * _NUM_WORKERS

        @pl.when(chunk < _FULL_CHUNKS)
        def _():
            do_chunk(chunk * _CHUNK, _CHUNK)

        return carry

    lax.fori_loop(0, _ROUNDS, round_body, 0)

    @pl.when(wid == _NUM_WORKERS - 2)
    def _():
        do_chunk(_TAIL1_OFF, _TAIL1)

    @pl.when(wid == _NUM_WORKERS - 1)
    def _():
        pltpu.sync_copy(tailf_hbm, flat_v.at[pl.ds(0, _TAIL2 * _EMBED_DIM)])
        pltpu.sync_copy(
            flat_v.at[pl.ds(0, _TAIL2 * _EMBED_DIM)],
            outf_hbm.at[pl.ds(_TAIL2_OFF * _EMBED_DIM, _TAIL2 * _EMBED_DIM)],
        )


@functools.partial(
    pl.kernel,
    mesh=plsc.VectorSubcoreMesh(core_axis_name="c", subcore_axis_name="s"),
    out_type=jax.ShapeDtypeStruct((_BATCH, _EMBED_DIM), jnp.float32),
    scratch_types=[
        pltpu.VMEM((_B_PER_W,), jnp.int32),
        pltpu.VMEM((_B_PER_W, _EMBED_DIM), jnp.float32),
        pltpu.SemaphoreType.DMA,
    ],
    compiler_params=pltpu.CompilerParams(use_tc_tiling_on_sc=False),
)
def _gather_kernel(table_hbm, idx_hbm, out_hbm, idx_v, rows_v, sem):
    wid = lax.axis_index("s") * _NUM_CORES + lax.axis_index("c")
    base = wid * _B_PER_W
    pltpu.sync_copy(idx_hbm.at[pl.ds(base, _B_PER_W)], idx_v)
    pltpu.async_copy(table_hbm.at[idx_v], rows_v, sem).wait()
    pltpu.sync_copy(rows_v, out_hbm.at[pl.ds(base, _B_PER_W)])


def kernel(inputs, table):
    tail_flat = lax.slice(
        table, (_TAIL2_OFF, 0), (_VOCAB, _EMBED_DIM)
    ).reshape(_TAIL2 * _EMBED_DIM)
    table_rm = _transpose_kernel(table.T, tail_flat).reshape(_VOCAB, _EMBED_DIM)
    return _gather_kernel(table_rm, inputs.astype(jnp.int32))

# --- scband reference (transcript-rebuilt; emitter-appended) ---
"""Pipeline reference for scband-my-model-87522843559794 (READ-ONLY COPY).

The authoritative reference and input builder live on the scoring server;
editing this copy changes nothing except your own understanding.
"""

import jax, jax.numpy as jnp
import numpy as np

VOCAB = 1000000
EMBED_DIM = 16
BATCH = 16384

def setup_inputs(seed: int = 0) -> dict:
    key = jax.random.key(seed)
    k_idx, k_tab = jax.random.split(key)
    inputs = jax.random.randint(k_idx, (BATCH,), 0, VOCAB, dtype=jnp.int64 if jax.config.jax_enable_x64 else jnp.int32)
    # Keras Embedding default 'uniform' initializer: U(-0.05, 0.05)
    table = jax.random.uniform(k_tab, (VOCAB, EMBED_DIM), dtype=jnp.float32, minval=-0.05, maxval=0.05)
    return {"inputs": inputs, "table": table}

def reference(inputs, table):
    # tf.keras.layers.Embedding: gather rows of the embedding table
    return jnp.take(table, inputs, axis=0)

if __name__ == "__main__":
    import jax
    _d = setup_inputs()
    print(jax.jit(kernel)(*tuple(_d.values())))

</pallas_src>

<mosaic_0001>
#map = affine_map<(d0, d1) -> (0, 0)>
#map1 = affine_map<(d0, d1) -> (0)>
module attributes {stable_mosaic.version = 14 : i64} {
  func.func @_transpose_kernel(%arg0: i32, %arg1: i32, %arg2: memref<16x1000000xf32, #tpu.memory_space<hbm>>, %arg3: memref<1024xf32, #tpu.memory_space<hbm>>, %arg4: memref<16000000xf32, #tpu.memory_space<hbm>>, %arg5: memref<16x2048xf32, #tpu.memory_space<vmem>>, %arg6: memref<32768xf32, #tpu.memory_space<vmem>>) attributes {dimension_semantics = [#tpu.dimension_semantics<core_parallel>, #tpu.dimension_semantics<subcore_parallel>], iteration_bounds = array<i64: 2, 16>, scalar_prefetch = 0 : i64, scratch_operands = 2 : i64, tpu.core_type = #tpu.core_type<sc_vector_subcore>, window_params = [{transform_indices = #map}, {transform_indices = #map1}, {transform_indices = #map1}]} {
    %mul3A = arith.constant 2 : i32
    %mul3A_0 = arith.muli %arg1, %mul3A : i32
    %add3A = arith.addi %mul3A_0, %arg0 : i32
    %iota3A = tpu.iota {dimensions = array<i32: 0>} : vector<16xi32>
    %scan3A = arith.constant 0 : i32
    %scan3A_1 = arith.constant 0 : i32
    %scan3A_2 = arith.constant 16 : i32
    %scan3A_3 = arith.addi %scan3A_1, %scan3A_2 : i32
    %scan3A_4 = arith.constant 1 : i32
    scf.for %scan3A_13 = %scan3A_1 to %scan3A_3 step %scan3A_4  : i32 {
      %mul3A_14 = arith.constant 32 : i32
      %mul3A_15 = arith.muli %scan3A_13, %mul3A_14 : i32
      %add3A_16 = arith.addi %add3A, %mul3A_15 : i32
      %lt3A = arith.constant 488 : i32
      %lt3A_17 = arith.cmpi slt, %add3A_16, %lt3A : i32
      %convert_element_type3A_18 = arith.extui %lt3A_17 : i1 to i32
      %cond3A_19 = arith.constant 0 : i32
      %cond3A_20 = arith.cmpi ne, %convert_element_type3A_18, %cond3A_19 : i32
      scf.if %cond3A_20 {
        %mul3A_21 = arith.constant 2048 : i32
        %mul3A_22 = arith.muli %add3A_16, %mul3A_21 : i32
        "tpu.region"() ({
          %run_scoped3A = tpu.sem_alloc : memref<!tpu.dma_semaphore, #tpu.memory_space<semaphore_mem>>
          %dma_start3A = arith.constant 0 : i32
          %dma_start3A_31 = arith.constant 0 : i32
          %dma_start3A_32 = tpu.memref_slice %arg5[%dma_start3A, %dma_start3A_31] : memref<16x2048xf32, #tpu.memory_space<vmem>> -> memref<16x2048xf32, #tpu.memory_space<vmem>>
          %dma_start3A_33 = arith.constant 0 : i32
          %dma_start3A_34 = tpu.memref_slice %arg2[%dma_start3A_33, %mul3A_22] : memref<16x1000000xf32, #tpu.memory_space<hbm>> -> memref<16x2048xf32, #tpu.memory_space<hbm>>
          %dma_start3A_35 = arith.constant 0 : i32
          %dma_start3A_36 = arith.constant 0 : i32
          %dma_start3A_37 = tpu.memref_slice %arg5[%dma_start3A_35, %dma_start3A_36] : memref<16x2048xf32, #tpu.memory_space<vmem>> -> memref<16x2048xf32, #tpu.memory_space<vmem>>
          %dma_start3A_38 = arith.constant 0 : i32
          %dma_start3A_39 = tpu.memref_slice %arg2[%dma_start3A_38, %mul3A_22] : memref<16x1000000xf32, #tpu.memory_space<hbm>> -> memref<16x2048xf32, #tpu.memory_space<hbm>>
          tpu.enqueue_dma source(%dma_start3A_39 : memref<16x2048xf32, #tpu.memory_space<hbm>>) target(%dma_start3A_37 : memref<16x2048xf32, #tpu.memory_space<vmem>>) target_semaphore(%run_scoped3A : memref<!tpu.dma_semaphore, #tpu.memory_space<semaphore_mem>>)
          %dma_wait3A = arith.constant 0 : i32
          %dma_wait3A_40 = arith.constant 0 : i32
          %dma_wait3A_41 = tpu.memref_slice %arg5[%dma_wait3A, %dma_wait3A_40] : memref<16x2048xf32, #tpu.memory_space<vmem>> -> memref<16x2048xf32, #tpu.memory_space<vmem>>
          %dma_wait3A_42 = arith.constant 0 : i32
          %dma_wait3A_43 = tpu.memref_slice %arg2[%dma_wait3A_42, %mul3A_22] : memref<16x1000000xf32, #tpu.memory_space<hbm>> -> memref<16x2048xf32, #tpu.memory_space<hbm>>
          %dma_wait3A_44 = arith.constant 0 : i32
          %dma_wait3A_45 = arith.constant 0 : i32
          %dma_wait3A_46 = tpu.memref_slice %arg5[%dma_wait3A_44, %dma_wait3A_45] : memref<16x2048xf32, #tpu.memory_space<vmem>> -> memref<16x2048xf32, #tpu.memory_space<vmem>>
          %dma_wait3A_47 = arith.constant 0 : i32
          %dma_wait3A_48 = tpu.memref_slice %arg2[%dma_wait3A_47, %mul3A_22] : memref<16x1000000xf32, #tpu.memory_space<hbm>> -> memref<16x2048xf32, #tpu.memory_space<hbm>>
          tpu.wait_dma2 semaphore(%run_scoped3A : memref<!tpu.dma_semaphore, #tpu.memory_space<semaphore_mem>>) src(%dma_wait3A_48 : memref<16x2048xf32, #tpu.memory_space<hbm>>) dst(%dma_wait3A_46 : memref<16x2048xf32, #tpu.memory_space<vmem>>)
          tpu.yield
        }) : () -> ()
        %scan3A_23 = arith.constant 0 : i32
        %scan3A_24 = arith.constant 0 : i32
        %scan3A_25 = arith.constant 2048 : i32
        %scan3A_26 = arith.addi %scan3A_24, %scan3A_25 : i32
        %scan3A_27 = arith.constant 1 : i32
        scf.for %scan3A_31 = %scan3A_24 to %scan3A_26 step %scan3A_27  : i32 {
          %broadcast_in_dim3A = vector.broadcast %scan3A_31 : i32 to vector<16xi32>
          %gather3A = tpu.vector_load_idx %arg5[%iota3A, %broadcast_in_dim3A] : memref<16x2048xf32, #tpu.memory_space<vmem>>[vector<16xi32>, vector<16xi32>], vector<16xf32>,
          %mul3A_32 = arith.constant 16 : i32
          %mul3A_33 = arith.muli %scan3A_31, %mul3A_32 : i32
          %swap3A = arith.index_cast %mul3A_33 : i32 to index
          %swap3A_34 = tpu.vector_load %arg6[%swap3A] {strides = array<i32>} : memref<32768xf32, #tpu.memory_space<vmem>>, vector<16xf32>,
          tpu.vector_store %arg6[%swap3A], %gather3A {strides = array<i32>} : memref<32768xf32, #tpu.memory_space<vmem>>, vector<16xf32>,
        }
        %scan3A_28 = arith.constant 2048 : i32
        %mul3A_29 = arith.constant 16 : i32
        %mul3A_30 = arith.muli %mul3A_22, %mul3A_29 : i32
        "tpu.region"() ({
          %run_scoped3A = tpu.sem_alloc : memref<!tpu.dma_semaphore, #tpu.memory_space<semaphore_mem>>
          %dma_start3A = arith.constant 0 : i32
          %dma_start3A_31 = tpu.memref_slice %arg6[%dma_start3A] : memref<32768xf32, #tpu.memory_space<vmem>> -> memref<32768xf32, #tpu.memory_space<vmem>>
          %dma_start3A_32 = tpu.memref_slice %arg4[%mul3A_30] : memref<16000000xf32, #tpu.memory_space<hbm>> -> memref<32768xf32, #tpu.memory_space<hbm>>
          %dma_start3A_33 = tpu.memref_slice %arg4[%mul3A_30] : memref<16000000xf32, #tpu.memory_space<hbm>> -> memref<32768xf32, #tpu.memory_space<hbm>>
          %dma_start3A_34 = arith.constant 0 : i32
          %dma_start3A_35 = tpu.memref_slice %arg6[%dma_start3A_34] : memref<32768xf32, #tpu.memory_space<vmem>> -> memref<32768xf32, #tpu.memory_space<vmem>>
          tpu.enqueue_dma source(%dma_start3A_35 : memref<32768xf32, #tpu.memory_space<vmem>>) target(%dma_start3A_33 : memref<32768xf32, #tpu.memory_space<hbm>>) target_semaphore(%run_scoped3A : memref<!tpu.dma_semaphore, #tpu.memory_space<semaphore_mem>>)
          %dma_wait3A = arith.constant 0 : i32
          %dma_wait3A_36 = tpu.memref_slice %arg6[%dma_wait3A] : memref<32768xf32, #tpu.memory_space<vmem>> -> memref<32768xf32, #tpu.memory_space<vmem>>
          %dma_wait3A_37 = tpu.memref_slice %arg4[%mul3A_30] : memref<16000000xf32, #tpu.memory_space<hbm>> -> memref<32768xf32, #tpu.memory_space<hbm>>
          %dma_wait3A_38 = tpu.memref_slice %arg4[%mul3A_30] : memref<16000000xf32, #tpu.memory_space<hbm>> -> memref<32768xf32, #tpu.memory_space<hbm>>
          %dma_wait3A_39 = arith.constant 0 : i32
          %dma_wait3A_40 = tpu.memref_slice %arg6[%dma_wait3A_39] : memref<32768xf32, #tpu.memory_space<vmem>> -> memref<32768xf32, #tpu.memory_space<vmem>>
          tpu.wait_dma2 semaphore(%run_scoped3A : memref<!tpu.dma_semaphore, #tpu.memory_space<semaphore_mem>>) src(%dma_wait3A_40 : memref<32768xf32, #tpu.memory_space<vmem>>) dst(%dma_wait3A_38 : memref<32768xf32, #tpu.memory_space<hbm>>)
          tpu.yield
        }) : () -> ()
      } else {
      }
    }
    %scan3A_5 = arith.constant 16 : i32
    %eq3A = arith.constant 30 : i32
    %eq3A_6 = arith.cmpi eq, %add3A, %eq3A : i32
    %convert_element_type3A = arith.extui %eq3A_6 : i1 to i32
    %cond3A = arith.constant 0 : i32
    %cond3A_7 = arith.cmpi ne, %convert_element_type3A, %cond3A : i32
    scf.if %cond3A_7 {
      "tpu.region"() ({
        %run_scoped3A = tpu.sem_alloc : memref<!tpu.dma_semaphore, #tpu.memory_space<semaphore_mem>>
        %dma_start3A = arith.constant 0 : i32
        %dma_start3A_19 = arith.constant 0 : i32
        %dma_start3A_20 = tpu.memref_slice %arg5[%dma_start3A, %dma_start3A_19] : memref<16x2048xf32, #tpu.memory_space<vmem>> -> memref<16x512xf32, #tpu.memory_space<vmem>>
        %dma_start3A_21 = arith.constant 0 : i32
        %dma_start3A_22 = arith.constant 999424 : i32
        %dma_start3A_23 = tpu.memref_slice %arg2[%dma_start3A_21, %dma_start3A_22] : memref<16x1000000xf32, #tpu.memory_space<hbm>> -> memref<16x512xf32, #tpu.memory_space<hbm>>
        %dma_start3A_24 = arith.constant 0 : i32
        %dma_start3A_25 = arith.constant 0 : i32
        %dma_start3A_26 = tpu.memref_slice %arg5[%dma_start3A_24, %dma_start3A_25] : memref<16x2048xf32, #tpu.memory_space<vmem>> -> memref<16x512xf32, #tpu.memory_space<vmem>>
        %dma_start3A_27 = arith.constant 0 : i32
        %dma_start3A_28 = arith.constant 999424 : i32
        %dma_start3A_29 = tpu.memref_slice %arg2[%dma_start3A_27, %dma_start3A_28] : memref<16x1000000xf32, #tpu.memory_space<hbm>> -> memref<16x512xf32, #tpu.memory_space<hbm>>
        tpu.enqueue_dma source(%dma_start3A_29 : memref<16x512xf32, #tpu.memory_space<hbm>>) target(%dma_start3A_26 : memref<16x512xf32, #tpu.memory_space<vmem>>) target_semaphore(%run_scoped3A : memref<!tpu.dma_semaphore, #tpu.memory_space<semaphore_mem>>)
        %dma_wait3A = arith.constant 0 : i32
        %dma_wait3A_30 = arith.constant 0 : i32
        %dma_wait3A_31 = tpu.memref_slice %arg5[%dma_wait3A, %dma_wait3A_30] : memref<16x2048xf32, #tpu.memory_space<vmem>> -> memref<16x512xf32, #tpu.memory_space<vmem>>
        %dma_wait3A_32 = arith.constant 0 : i32
        %dma_wait3A_33 = arith.constant 999424 : i32
        %dma_wait3A_34 = tpu.memref_slice %arg2[%dma_wait3A_32, %dma_wait3A_33] : memref<16x1000000xf32, #tpu.memory_space<hbm>> -> memref<16x512xf32, #tpu.memory_space<hbm>>
        %dma_wait3A_35 = arith.constant 0 : i32
        %dma_wait3A_36 = arith.constant 0 : i32
        %dma_wait3A_37 = tpu.memref_slice %arg5[%dma_wait3A_35, %dma_wait3A_36] : memref<16x2048xf32, #tpu.memory_space<vmem>> -> memref<16x512xf32, #tpu.memory_space<vmem>>
        %dma_wait3A_38 = arith.constant 0 : i32
        %dma_wait3A_39 = arith.constant 999424 : i32
        %dma_wait3A_40 = tpu.memref_slice %arg2[%dma_wait3A_38, %dma_wait3A_39] : memref<16x1000000xf32, #tpu.memory_space<hbm>> -> memref<16x512xf32, #tpu.memory_space<hbm>>
        tpu.wait_dma2 semaphore(%run_scoped3A : memref<!tpu.dma_semaphore, #tpu.memory_space<semaphore_mem>>) src(%dma_wait3A_40 : memref<16x512xf32, #tpu.memory_space<hbm>>) dst(%dma_wait3A_37 : memref<16x512xf32, #tpu.memory_space<vmem>>)
        tpu.yield
      }) : () -> ()
      %scan3A_13 = arith.constant 0 : i32
      %scan3A_14 = arith.constant 0 : i32
      %scan3A_15 = arith.constant 512 : i32
      %scan3A_16 = arith.addi %scan3A_14, %scan3A_15 : i32
      %scan3A_17 = arith.constant 1 : i32
      scf.for %scan3A_19 = %scan3A_14 to %scan3A_16 step %scan3A_17  : i32 {
        %broadcast_in_dim3A = vector.broadcast %scan3A_19 : i32 to vector<16xi32>
        %gather3A = tpu.vector_load_idx %arg5[%iota3A, %broadcast_in_dim3A] : memref<16x2048xf32, #tpu.memory_space<vmem>>[vector<16xi32>, vector<16xi32>], vector<16xf32>,
        %mul3A_20 = arith.constant 16 : i32
        %mul3A_21 = arith.muli %scan3A_19, %mul3A_20 : i32
        %swap3A = arith.index_cast %mul3A_21 : i32 to index
        %swap3A_22 = tpu.vector_load %arg6[%swap3A] {strides = array<i32>} : memref<32768xf32, #tpu.memory_space<vmem>>, vector<16xf32>,
        tpu.vector_store %arg6[%swap3A], %gather3A {strides = array<i32>} : memref<32768xf32, #tpu.memory_space<vmem>>, vector<16xf32>,
      }
      %scan3A_18 = arith.constant 512 : i32
      "tpu.region"() ({
        %run_scoped3A = tpu.sem_alloc : memref<!tpu.dma_semaphore, #tpu.memory_space<semaphore_mem>>
        %dma_start3A = arith.constant 0 : i32
        %dma_start3A_19 = tpu.memref_slice %arg6[%dma_start3A] : memref<32768xf32, #tpu.memory_space<vmem>> -> memref<8192xf32, #tpu.memory_space<vmem>>
        %dma_start3A_20 = arith.constant 15990784 : i32
        %dma_start3A_21 = tpu.memref_slice %arg4[%dma_start3A_20] : memref<16000000xf32, #tpu.memory_space<hbm>> -> memref<8192xf32, #tpu.memory_space<hbm>>
        %dma_start3A_22 = arith.constant 15990784 : i32
        %dma_start3A_23 = tpu.memref_slice %arg4[%dma_start3A_22] : memref<16000000xf32, #tpu.memory_space<hbm>> -> memref<8192xf32, #tpu.memory_space<hbm>>
        %dma_start3A_24 = arith.constant 0 : i32
        %dma_start3A_25 = tpu.memref_slice %arg6[%dma_start3A_24] : memref<32768xf32, #tpu.memory_space<vmem>> -> memref<8192xf32, #tpu.memory_space<vmem>>
        tpu.enqueue_dma source(%dma_start3A_25 : memref<8192xf32, #tpu.memory_space<vmem>>) target(%dma_start3A_23 : memref<8192xf32, #tpu.memory_space<hbm>>) target_semaphore(%run_scoped3A : memref<!tpu.dma_semaphore, #tpu.memory_space<semaphore_mem>>)
        %dma_wait3A = arith.constant 0 : i32
        %dma_wait3A_26 = tpu.memref_slice %arg6[%dma_wait3A] : memref<32768xf32, #tpu.memory_space<vmem>> -> memref<8192xf32, #tpu.memory_space<vmem>>
        %dma_wait3A_27 = arith.constant 15990784 : i32
        %dma_wait3A_28 = tpu.memref_slice %arg4[%dma_wait3A_27] : memref<16000000xf32, #tpu.memory_space<hbm>> -> memref<8192xf32, #tpu.memory_space<hbm>>
        %dma_wait3A_29 = arith.constant 15990784 : i32
        %dma_wait3A_30 = tpu.memref_slice %arg4[%dma_wait3A_29] : memref<16000000xf32, #tpu.memory_space<hbm>> -> memref<8192xf32, #tpu.memory_space<hbm>>
        %dma_wait3A_31 = arith.constant 0 : i32
        %dma_wait3A_32 = tpu.memref_slice %arg6[%dma_wait3A_31] : memref<32768xf32, #tpu.memory_space<vmem>> -> memref<8192xf32, #tpu.memory_space<vmem>>
        tpu.wait_dma2 semaphore(%run_scoped3A : memref<!tpu.dma_semaphore, #tpu.memory_space<semaphore_mem>>) src(%dma_wait3A_32 : memref<8192xf32, #tpu.memory_space<vmem>>) dst(%dma_wait3A_30 : memref<8192xf32, #tpu.memory_space<hbm>>)
        tpu.yield
      }) : () -> ()
    } else {
    }
    %eq3A_8 = arith.constant 31 : i32
    %eq3A_9 = arith.cmpi eq, %add3A, %eq3A_8 : i32
    %convert_element_type3A_10 = arith.extui %eq3A_9 : i1 to i32
    %cond3A_11 = arith.constant 0 : i32
    %cond3A_12 = arith.cmpi ne, %convert_element_type3A_10, %cond3A_11 : i32
    scf.if %cond3A_12 {
      "tpu.region"() ({
        %run_scoped3A = tpu.sem_alloc : memref<!tpu.dma_semaphore, #tpu.memory_space<semaphore_mem>>
        %dma_start3A = arith.constant 0 : i32
        %dma_start3A_13 = tpu.memref_slice %arg6[%dma_start3A] : memref<32768xf32, #tpu.memory_space<vmem>> -> memref<1024xf32, #tpu.memory_space<vmem>>
        %dma_start3A_14 = arith.constant 0 : i32
        %dma_start3A_15 = tpu.memref_slice %arg6[%dma_start3A_14] : memref<32768xf32, #tpu.memory_space<vmem>> -> memref<1024xf32, #tpu.memory_space<vmem>>
        tpu.enqueue_dma source(%arg3 : memref<1024xf32, #tpu.memory_space<hbm>>) target(%dma_start3A_15 : memref<1024xf32, #tpu.memory_space<vmem>>) target_semaphore(%run_scoped3A : memref<!tpu.dma_semaphore, #tpu.memory_space<semaphore_mem>>)
        %dma_wait3A = arith.constant 0 : i32
        %dma_wait3A_16 = tpu.memref_slice %arg6[%dma_wait3A] : memref<32768xf32, #tpu.memory_space<vmem>> -> memref<1024xf32, #tpu.memory_space<vmem>>
        %dma_wait3A_17 = arith.constant 0 : i32
        %dma_wait3A_18 = tpu.memref_slice %arg6[%dma_wait3A_17] : memref<32768xf32, #tpu.memory_space<vmem>> -> memref<1024xf32, #tpu.memory_space<vmem>>
        tpu.wait_dma2 semaphore(%run_scoped3A : memref<!tpu.dma_semaphore, #tpu.memory_space<semaphore_mem>>) src(%arg3 : memref<1024xf32, #tpu.memory_space<hbm>>) dst(%dma_wait3A_18 : memref<1024xf32, #tpu.memory_space<vmem>>)
        tpu.yield
      }) : () -> ()
      "tpu.region"() ({
        %run_scoped3A = tpu.sem_alloc : memref<!tpu.dma_semaphore, #tpu.memory_space<semaphore_mem>>
        %dma_start3A = arith.constant 0 : i32
        %dma_start3A_13 = tpu.memref_slice %arg6[%dma_start3A] : memref<32768xf32, #tpu.memory_space<vmem>> -> memref<1024xf32, #tpu.memory_space<vmem>>
        %dma_start3A_14 = arith.constant 15998976 : i32
        %dma_start3A_15 = tpu.memref_slice %arg4[%dma_start3A_14] : memref<16000000xf32, #tpu.memory_space<hbm>> -> memref<1024xf32, #tpu.memory_space<hbm>>
        %dma_start3A_16 = arith.constant 15998976 : i32
        %dma_start3A_17 = tpu.memref_slice %arg4[%dma_start3A_16] : memref<16000000xf32, #tpu.memory_space<hbm>> -> memref<1024xf32, #tpu.memory_space<hbm>>
        %dma_start3A_18 = arith.constant 0 : i32
        %dma_start3A_19 = tpu.memref_slice %arg6[%dma_start3A_18] : memref<32768xf32, #tpu.memory_space<vmem>> -> memref<1024xf32, #tpu.memory_space<vmem>>
        tpu.enqueue_dma source(%dma_start3A_19 : memref<1024xf32, #tpu.memory_space<vmem>>) target(%dma_start3A_17 : memref<1024xf32, #tpu.memory_space<hbm>>) target_semaphore(%run_scoped3A : memref<!tpu.dma_semaphore, #tpu.memory_space<semaphore_mem>>)
        %dma_wait3A = arith.constant 0 : i32
        %dma_wait3A_20 = tpu.memref_slice %arg6[%dma_wait3A] : memref<32768xf32, #tpu.memory_space<vmem>> -> memref<1024xf32, #tpu.memory_space<vmem>>
        %dma_wait3A_21 = arith.constant 15998976 : i32
        %dma_wait3A_22 = tpu.memref_slice %arg4[%dma_wait3A_21] : memref<16000000xf32, #tpu.memory_space<hbm>> -> memref<1024xf32, #tpu.memory_space<hbm>>
        %dma_wait3A_23 = arith.constant 15998976 : i32
        %dma_wait3A_24 = tpu.memref_slice %arg4[%dma_wait3A_23] : memref<16000000xf32, #tpu.memory_space<hbm>> -> memref<1024xf32, #tpu.memory_space<hbm>>
        %dma_wait3A_25 = arith.constant 0 : i32
        %dma_wait3A_26 = tpu.memref_slice %arg6[%dma_wait3A_25] : memref<32768xf32, #tpu.memory_space<vmem>> -> memref<1024xf32, #tpu.memory_space<vmem>>
        tpu.wait_dma2 semaphore(%run_scoped3A : memref<!tpu.dma_semaphore, #tpu.memory_space<semaphore_mem>>) src(%dma_wait3A_26 : memref<1024xf32, #tpu.memory_space<vmem>>) dst(%dma_wait3A_24 : memref<1024xf32, #tpu.memory_space<hbm>>)
        tpu.yield
      }) : () -> ()
    } else {
    }
    return
  }
}

#map = affine_map<(d0, d1) -> (0, 0)>
#map1 = affine_map<(d0, d1) -> (0)>
module attributes {stable_mosaic.version = 14 : i64} {
  func.func @_gather_kernel(%arg0: i32, %arg1: i32, %arg2: memref<1000000x16xf32, #tpu.memory_space<hbm>>, %arg3: memref<16384xi32, #tpu.memory_space<hbm>>, %arg4: memref<16384x16xf32, #tpu.memory_space<hbm>>, %arg5: memref<512xi32, #tpu.memory_space<vmem>>, %arg6: memref<512x16xf32, #tpu.memory_space<vmem>>, %arg7: memref<!tpu.dma_semaphore, #tpu.memory_space<semaphore_mem>>) attributes {dimension_semantics = [#tpu.dimension_semantics<core_parallel>, #tpu.dimension_semantics<subcore_parallel>], iteration_bounds = array<i64: 2, 16>, scalar_prefetch = 0 : i64, scratch_operands = 3 : i64, tpu.core_type = #tpu.core_type<sc_vector_subcore>, window_params = [{transform_indices = #map}, {transform_indices = #map1}, {transform_indices = #map}]} {
    %mul3A = arith.constant 2 : i32
    %mul3A_0 = arith.muli %arg1, %mul3A : i32
    %add3A = arith.addi %mul3A_0, %arg0 : i32
    %mul3A_1 = arith.constant 512 : i32
    %mul3A_2 = arith.muli %add3A, %mul3A_1 : i32
    "tpu.region"() ({
      %run_scoped3A = tpu.sem_alloc : memref<!tpu.dma_semaphore, #tpu.memory_space<semaphore_mem>>
      %dma_start3A_7 = tpu.memref_slice %arg3[%mul3A_2] : memref<16384xi32, #tpu.memory_space<hbm>> -> memref<512xi32, #tpu.memory_space<hbm>>
      %dma_start3A_8 = tpu.memref_slice %arg3[%mul3A_2] : memref<16384xi32, #tpu.memory_space<hbm>> -> memref<512xi32, #tpu.memory_space<hbm>>
      tpu.enqueue_dma source(%dma_start3A_8 : memref<512xi32, #tpu.memory_space<hbm>>) target(%arg5 : memref<512xi32, #tpu.memory_space<vmem>>) target_semaphore(%run_scoped3A : memref<!tpu.dma_semaphore, #tpu.memory_space<semaphore_mem>>)
      %dma_wait3A_9 = tpu.memref_slice %arg3[%mul3A_2] : memref<16384xi32, #tpu.memory_space<hbm>> -> memref<512xi32, #tpu.memory_space<hbm>>
      %dma_wait3A_10 = tpu.memref_slice %arg3[%mul3A_2] : memref<16384xi32, #tpu.memory_space<hbm>> -> memref<512xi32, #tpu.memory_space<hbm>>
      tpu.wait_dma2 semaphore(%run_scoped3A : memref<!tpu.dma_semaphore, #tpu.memory_space<semaphore_mem>>) src(%dma_wait3A_10 : memref<512xi32, #tpu.memory_space<hbm>>) dst(%arg5 : memref<512xi32, #tpu.memory_space<vmem>>)
      tpu.yield
    }) : () -> ()
    %dma_start3A = arith.constant 0 : i32
    %dma_start3A_3 = arith.constant 0 : i32
    %dma_start3A_4 = tpu.memref_slice %arg2[%dma_start3A, %dma_start3A_3] : memref<1000000x16xf32, #tpu.memory_space<hbm>> -> memref<1000000x16xf32, #tpu.memory_space<hbm>>
    tpu.enqueue_indirect_dma source(%dma_start3A_4 : memref<1000000x16xf32, #tpu.memory_space<hbm>>) target(%arg6 : memref<512x16xf32, #tpu.memory_space<vmem>>) offsets(%arg5 : memref<512xi32, #tpu.memory_space<vmem>>) semaphore(%arg7 : memref<!tpu.dma_semaphore, #tpu.memory_space<semaphore_mem>>)
    %dma_wait3A = arith.constant 0 : i32
    %dma_wait3A_5 = arith.constant 0 : i32
    %dma_wait3A_6 = tpu.memref_slice %arg2[%dma_wait3A, %dma_wait3A_5] : memref<1000000x16xf32, #tpu.memory_space<hbm>> -> memref<1000000x16xf32, #tpu.memory_space<hbm>>
    tpu.wait_indirect_dma semaphore(%arg7 : memref<!tpu.dma_semaphore, #tpu.memory_space<semaphore_mem>>) src(%dma_wait3A_6 : memref<1000000x16xf32, #tpu.memory_space<hbm>>) dst(%arg6 : memref<512x16xf32, #tpu.memory_space<vmem>>)
    "tpu.region"() ({
      %run_scoped3A = tpu.sem_alloc : memref<!tpu.dma_semaphore, #tpu.memory_space<semaphore_mem>>
      %dma_start3A_7 = arith.constant 0 : i32
      %dma_start3A_8 = tpu.memref_slice %arg4[%mul3A_2, %dma_start3A_7] : memref<16384x16xf32, #tpu.memory_space<hbm>> -> memref<512x16xf32, #tpu.memory_space<hbm>>
      %dma_start3A_9 = arith.constant 0 : i32
      %dma_start3A_10 = tpu.memref_slice %arg4[%mul3A_2, %dma_start3A_9] : memref<16384x16xf32, #tpu.memory_space<hbm>> -> memref<512x16xf32, #tpu.memory_space<hbm>>
      tpu.enqueue_dma source(%arg6 : memref<512x16xf32, #tpu.memory_space<vmem>>) target(%dma_start3A_10 : memref<512x16xf32, #tpu.memory_space<hbm>>) target_semaphore(%run_scoped3A : memref<!tpu.dma_semaphore, #tpu.memory_space<semaphore_mem>>)
      %dma_wait3A_11 = arith.constant 0 : i32
      %dma_wait3A_12 = tpu.memref_slice %arg4[%mul3A_2, %dma_wait3A_11] : memref<16384x16xf32, #tpu.memory_space<hbm>> -> memref<512x16xf32, #tpu.memory_space<hbm>>
      %dma_wait3A_13 = arith.constant 0 : i32
      %dma_wait3A_14 = tpu.memref_slice %arg4[%mul3A_2, %dma_wait3A_13] : memref<16384x16xf32, #tpu.memory_space<hbm>> -> memref<512x16xf32, #tpu.memory_space<hbm>>
      tpu.wait_dma2 semaphore(%run_scoped3A : memref<!tpu.dma_semaphore, #tpu.memory_space<semaphore_mem>>) src(%arg6 : memref<512x16xf32, #tpu.memory_space<vmem>>) dst(%dma_wait3A_14 : memref<512x16xf32, #tpu.memory_space<hbm>>)
      tpu.yield
    }) : () -> ()
    return
  }
}

</mosaic_0001>

<sc_bundles>
// kernel: kernel.4.cloned.1.call-start
scs
__scs_entry_jumppad:
0x0: {  	(pc) =	sbr.rel $0x88, $3  }
0x1: {  	(tag) =	ssettag $0x0;
	lr =	simm.s32 $0x1  }
0x2: {  	[smem:$0x3F9F] =	sst lr;
	_ =	strace $0xD0000000  }
0x3: {  	_ = 	snop  }
0x4: {  	_ = 	snop  }
0x5: {  	_ = 	snop  }
0x6: {  	_ = 	snop  }
0x7: {  	_ = 	snop  }
__scs_overlays_trampoline_lowered:
0x8: {  	[smem:$0x3FAE] =	sst s0  }
0x9: {  	[smem:$0x3FAF] =	sst s1  }
0xa: {  	[smem:$0x3FB0] =	sst s2  }
0xb: {  	[smem:$0x3FB1] =	sst s3  }
0xc: {  	[smem:$0x3FB2] =	sst s4  }
0xd: {  	[smem:$0x3FB3] =	sst s5  }
0xe: {  	[smem:$0x3FB4] =	sst s6  }
0xf: {  	[smem:$0x3FB5] =	sst s7  }
0x10: {  	[smem:$0x3FB6] =	sst s8  }
0x11: {  	[smem:$0x3FB7] =	sst s9;
	s0 =	simm.s32 @!p0 $0x0  }
0x12: {  	s1 =	sld [smem:$0x3F9D];
	s0 =	simm.s32 @p0 $0x1  }
0x13: {  	[smem:$0x3FB8] =	sst s0;
	s0 =	simm.s32 @!p1 $0x0  }
0x14: {  	s2 =	sld [smem:$0x3F9C];
	s0 =	simm.s32 @p1 $0x1  }
0x15: {  	[smem:$0x3FB9] =	sst s0;
	s0 =	simm.s32 @!p2 $0x0  }
0x16: {  	s3 =	sld [smem:$0x3FDB];
	s0 =	simm.s32 @p2 $0x1  }
0x17: {  	s4 =	simm.s32 $0x1BF5;
	[smem:$0x3FBB] =	sst s0  }
0x18: {  	s0 =	sld [smem:$0x3F9E];
	_ =	swait.ge [sflag:s4], $0x0  }
0x19: {  	s7 =	sld [smem:$0x3F9F]  }
0x1a: {  	s8 =	sadd.s32 $0xFFFFE003, lr  }
0x1b: {  	s9 =	sadd.s32 $0xFFFFFEF7, lr;
	s5 =	simm.s32 $0xFFFFFFFF;
	p2 =	slt.u32 s8, $0xFFFFF086  }
0x1c: {  	p1 =	slt.u32 s9, $0xF7A;
	s5 =	simm.s32 @!p2 $0x0  }
0x1d: {  	s5 =	simm.s32 @p1 $0x1;
	p0 =	seq.s32 s7, s2  }
0x1e: {  	s7 =	smul.u32 @!p0 $0xF7A, s2;
	p2 =	seq.s32 @!p0 s5, $0x0  }
0x1f: {  	s9 =	smul.u32 $0xF7A, s1;
	s8 =	simm.s32 @!p0 $0x1BF5;
	p2 =	por !p2, p0  }
0x20: {  	[sflag:s8] =	ssyncset.s32 @!p0 $0xFFFFF086;
	s6 =	sadd.s32 @!p0 s3, s7;
	s7 =	simm.s32 @!p0 $0x108  }
0x21: {  	s3 =	sadd.s32 s3, s9;
	s6 =	sadd.s32 @!p0 $0x88, s6;
	s7 =	simm.s32 @p2 $0x1082  }
0x22: {  	[simem:s7], [sflag:s8] =	dma.local @!p0 [hbm:s6], $0xF7A  }
0x23: {  	s9 =	sor.u32 $0xD0000000, s2;
	s6 =	simm.s32 $0x108;
	_ =	swait.ge @!p0 [sflag:s8], $0x0  }
0x24: {  	s3 =	sadd.s32 $0x88, s3;
	s6 =	simm.s32 @!p1 $0x1082;
	[sflag:s4] =	ssyncset.s32 $0xFFFFF086  }
0x25: {  	[simem:s6], [sflag:s4] =	dma.local [hbm:s3], $0xF7A  }
0x26: {  	[smem:$0x3F9F] =	sst s1;
	(tag) =	ssettag s2;
	_ =	strace s9  }
0x27: {  	s1 =	sld [smem:$0x3FAF]  }
0x28: {  	s2 =	sld [smem:$0x3FB0]  }
0x29: {  	s4 =	sld [smem:$0x3FB2]  }
0x2a: {  	p0 =	seq.s32 s5, $0x0;
	s5 =	sld [smem:$0x3FB3]  }
0x2b: {  	s6 =	sld [smem:$0x3FB4]  }
0x2c: {  	s7 =	sld [smem:$0x3FB5]  }
0x2d: {  	s3 =	simm.s32 $0x108;
	s8 =	sld [smem:$0x3FB6]  }
0x2e: {  	s3 =	simm.s32 @!p0 $0x1082;
	s9 =	sld [smem:$0x3FB7]  }
0x2f: {  	lr =	sadd.s32 s0, s3;
	s0 =	sld [smem:$0x3FAE]  }
0x30: {  	s3 =	sld [smem:$0x3FB1]  }
0x31: {  	[smem:$0x3FBA] =	sst s10  }
0x32: {  	s10 =	sld [smem:$0x3FB8];
	_ =	sdelay $0x3  }
0x33: {  	p0 =	seq.s32 s10, $0x1;
	s10 =	sld [smem:$0x3FBA];
	_ =	sdelay $0x3  }
0x34: {  	[smem:$0x3FBA] =	sst s10  }
0x35: {  	s10 =	sld [smem:$0x3FB9];
	_ =	sdelay $0x3  }
0x36: {  	p1 =	seq.s32 s10, $0x1;
	s10 =	sld [smem:$0x3FBA];
	_ =	sdelay $0x3  }
0x37: {  	[smem:$0x3FBA] =	sst s10  }
0x38: {  	s10 =	sld [smem:$0x3FBB]  }
0x39: {  	_ = 	snop;
	(pc) =	sbr.ind lr, $3  }
0x3a: {  	_ = 	snop  }
0x3b: {  	_ = 	snop  }
0x3c: {  	p2 =	seq.s32 s10, $0x1;
	s10 =	sld [smem:$0x3FBA]  }
0x3d: {  	_ =	shalt  }
0x3e: {  	_ =	shalt  }
0x3f: {  	_ =	shalt  }
0x40: {  	_ =	shalt  }
0x41: {  	_ =	shalt  }
0x42: {  	_ =	shalt  }
0x43: {  	_ =	shalt  }
0x44: {  	_ =	shalt  }
0x45: {  	_ =	shalt  }
0x46: {  	_ =	shalt  }
0x47: {  	_ =	shalt  }
0x48: {  	_ =	shalt  }
0x49: {  	_ =	shalt  }
0x4a: {  	_ =	shalt  }
0x4b: {  	_ =	shalt  }
0x4c: {  	_ =	shalt  }
0x4d: {  	_ =	shalt  }
0x4e: {  	_ =	shalt  }
0x4f: {  	_ =	shalt  }
0x50: {  	_ =	shalt  }
0x51: {  	_ =	shalt  }
0x52: {  	_ =	shalt  }
0x53: {  	_ =	shalt  }
0x54: {  	_ =	shalt  }
0x55: {  	_ =	shalt  }
0x56: {  	_ =	shalt  }
0x57: {  	_ =	shalt  }
0x58: {  	_ =	shalt  }
0x59: {  	_ =	shalt  }
0x5a: {  	_ =	shalt  }
0x5b: {  	_ =	shalt  }
0x5c: {  	_ =	shalt  }
0x5d: {  	_ =	shalt  }
0x5e: {  	_ =	shalt  }
0x5f: {  	_ =	shalt  }
0x60: {  	_ =	shalt  }
0x61: {  	_ =	shalt  }
0x62: {  	_ =	shalt  }
0x63: {  	_ =	shalt  }
0x64: {  	_ =	shalt  }
0x65: {  	_ =	shalt  }
0x66: {  	_ =	shalt  }
0x67: {  	_ =	shalt  }
0x68: {  	_ =	shalt  }
0x69: {  	_ =	shalt  }
0x6a: {  	_ =	shalt  }
0x6b: {  	_ =	shalt  }
0x6c: {  	_ =	shalt  }
0x6d: {  	_ =	shalt  }
0x6e: {  	_ =	shalt  }
0x6f: {  	_ =	shalt  }
0x70: {  	_ =	shalt  }
0x71: {  	_ =	shalt  }
0x72: {  	_ =	shalt  }
0x73: {  	_ =	shalt  }
0x74: {  	_ =	shalt  }
0x75: {  	_ =	shalt  }
0x76: {  	_ =	shalt  }
0x77: {  	_ =	shalt  }
0x78: {  	_ =	shalt  }
0x79: {  	_ =	shalt  }
0x7a: {  	_ =	shalt  }
0x7b: {  	_ =	shalt  }
0x7c: {  	_ =	shalt  }
0x7d: {  	_ =	shalt  }
0x7e: {  	_ =	shalt  }
0x7f: {  	_ =	shalt  }
0x80: {  	_ =	shalt  }
0x81: {  	_ =	shalt  }
0x82: {  	_ =	shalt  }
0x83: {  	_ =	shalt  }
0x84: {  	_ =	shalt  }
0x85: {  	_ =	shalt  }
0x86: {  	_ =	shalt  }
0x87: {  	_ =	shalt  }
.Lfunc_end0:
.L_simem_size_0:
called_computation_lowered:
.L_overlay_start_0:
0x88: {  	s2 =	sld [smem:$0x3FD9]  }
0x89: {  	s3 =	sld [smem:$0x3FFE];
	_ =	sdelay $0x1  }
0x8a: {  	s1 =	srdreg.scid  }
0x8b: {  	s0 =	sand.u32 $0x1, s1  }
0x8c: {  	s17 =	sshll.u32 s0, $0xA;
	s2 =	sadd.s32 s3, s2  }
0x8d: {  	s2 =	sadd.s32 s2, s17  }
0x8e: {  	[smem:$0x3FC6] =	sst s2  }
0x8f: {  	_ = 	snop  }
0x90: {  	s2 =	sld [smem:$0x3FC8]  }
0x91: {  	s18 =	sld [smem:$0x3FD0];
	(tm) =	ssettm $0x1  }
0x92: {  	s4 =	sld [smem:$0x3FFB];
	_ =	sdelay $0x3  }
0x93: {  	_ =	strace s4  }
0x94: {  	s4 =	sld [smem:$0x3FFC];
	_ =	sdelay $0x3  }
0x95: {  	_ =	strace s4  }
0x96: {  	s4 =	sld [smem:$0x3FFD];
	_ =	sdelay $0x3  }
0x97: {  	_ =	strace s4  }
0x98: {  	_ =	strace $0x8FFFFFFF  }
0x99: {  	s19 =	sld [smem:$0x3FDB];
	_ =	sdelay $0x1  }
0x9a: {  	s5 =	simm.s32 $_scs_section_size  }
0x9b: {  	s6 =	simm.s32 $_size__tile_overlayer_lowered;
	s7 =	simm.s32 $_tile_overlayer_lowered  }
0x9c: {  	s22 =	simm.s32 $0x1BFF;
	s21 =	sshll.u32 s7, $0x1;
	s4 =	sadd.s32 s5, s19  }
0x9d: {  	s8 =	simm.s32 $0x0;
	s20 =	sshll.u32 s6, $0x1;
	s6 =	sadd.s32 s21, s4  }
0x9e: {  	[timem:s8], [sflag:s22] =	dma.local [hbm:s6], s20  }
0x9f: {  	_ =	swait.ge [sflag:s22], s20  }
0xa0: {  	s5 =	ssub.s32 $0x0, s20;
	[sflag:s22] =	ssyncset.done $0x0  }
0xa1: {  	[sflag:s22] =	ssyncadd.s32 s5;
	_ =	sdelay $0x1  }
0xa2: {  	s23 =	simm.s32 $0x1B8B  }
0xa3: {  	_ =	swait.ge [sflag:s23], $0x1  }
0xa4: {  	[sflag:s23] =	ssyncset.done $0x0  }
0xa5: {  	s25 =	simm.s32 $0x1B8E;
	s24 =	sld [smem:$0x3FFE];
	[sflag:s23] =	ssyncadd.s32 $0xFFFFFFFF  }
0xa6: {  	s26 =	simm.s32 $execute0_lowered;
	[smem:$0x3FD2] =	sst s25  }
0xa7: {  	s6 =	sshll.u32 s26, $0x1;
	_ =	strace $0x80000046;
	[dreg:$0x1] =	wrdreg $0xFFFFFFFF  }
0xa8: {  	s28 =	simm.s32 $_size_execute0_lowered;
	s4 =	sadd.s32 s4, s6;
	[dreg:$0x0] =	wrdreg $0x0  }
0xa9: {  	s6 =	sshll.u32 s28, $0x1;
	[dreg:$0x2] =	wrdreg s4  }
0xaa: {  	[dreg:$0x3] =	wrdreg s6  }
0xab: {  	[dreg:$0x4] =	wrdreg $0xC0  }
0xac: {  	_ =	task [dreg:s8], $0x5FFFF  }
0xad: {  	[dreg:$0x1] =	wrdreg $0xFFFFFFFF  }
0xae: {  	[dreg:$0x0] =	wrdreg $0x60  }
0xaf: {  	[dreg:$0x2] =	wrdreg s2  }
0xb0: {  	[dreg:$0x3] =	wrdreg s18  }
0xb1: {  	[dreg:$0x4] =	wrdreg s24  }
0xb2: {  	[dreg:$0x5] =	wrdreg $0x9  }
0xb3: {  	_ =	task.clear_ibuf [dreg:s8], $0x6FFFF;
	_ =	strace $0x90000046  }
0xb4: {  	s29 =	simm.s32 $0x9;
	_ =	strace $0x80000048  }
0xb5: {  	_ =	swait.ge [sflag:s29], $0x1  }
0xb6: {  	[sflag:s29] =	ssyncadd.s32 $0xFFFFFFFF  }
0xb7: {  	_ =	strace $0x90000048  }
0xb8: {  	_ =	sfence  }
0xb9: {  	s30 =	sld [smem:$0x0];
	_ =	sdelay $0x2  }
0xba: {  	s31 =	sshll.u32 s1, $0xD;
	s1 =	sshrl.u32 s1, $0x2  }
0xbb: {  	s3 =	sand.u32 $0x4000, s31;
	s1 =	sadd.s32 s1, s30  }
0xbc: {  	s0 =	sor.u32 s3, s0;
	s1 =	sshll.u32 s1, $0x11  }
0xbd: {  	s0 =	sor.u32 s1, s0  }
0xbe: {  	s0 =	sadd.s32 $0x8F2B, s0  }
0xbf: {  	[sflag:s0] =	ssyncadd.remote.s32 $0x1  }
0xc0: {  	_ =	sfence.sel $0xFFFF  }
0xc1: {  	[dreg:$0x0] =	wrdreg $0xFFFFFFFF;
	(pc) =	sbr.abs _section_cstart, $3  }
0xc2: {  	[dreg:$0x1] =	wrdreg $0xFFFFFFFF  }
0xc3: {  	_ =	task.clear_ibuf [dreg:s8], $0x2FFFF;
	_ =	strace $0x9FFFFFFF  }
0xc4: {  	(tm) =	ssettm $0x7FFFFFFF  }
0xc5: {  	_ =	shalt  }
tec
execute0_lowered:
.L_overlay_start_1:
0x0: {  	(tag) =	ssettag $0x1  }
0x1: {  	v0 =	vimm.s32 $0x4380;
	vm0 =	vcmask $0x300  }
0x2: {  	vm14 =	vcmask $0x704;
	v0 =	vsel vm0, $0x0, v0  }
0x3: {  	vm15 =	vcmask $0xB08;
	v0 =	vsel vm14, $0x80, v0  }
0x4: {  	vm4 =	vcmask $0xF0C;
	s0 =	rddreg [dreg:$0x0];
	v0 =	vsel vm15, $0x100, v0  }
0x5: {  	vm5 =	vcmask $0x1310;
	s2 =	rddreg [dreg:$0x1];
	v0 =	vsel vm4, $0x180, v0  }
0x6: {  	vm6 =	vcmask $0x1714;
	s9 =	rddreg [dreg:$0x2];
	v0 =	vsel vm5, $0x200, v0  }
0x7: {  	vm7 =	vcmask $0x1B18;
	s1 =	rddreg [dreg:$0x3];
	v0 =	vsel vm6, $0x280, v0  }
0x8: {  	s3 =	simm.s32 $0x0;
	s4 =	srdreg.scid;
	vm8 =	vcmask $0x1F1C;
	s12 =	simm.s32 $0x7A1400;
	v0 =	vsel vm7, $0x300, v0  }
0x9: {  	vm9 =	vcmask $0x2320;
	s13 =	simm.s32 $0x2;
	s14 =	simm.s32 $0x8000;
	s15 =	simm.s32 $0x1;
	v0 =	vsel vm8, $0x380, v0  }
0xa: {  	vm10 =	vcmask $0x2724;
	s17 =	simm.s32 $0x0;
	s22 =	simm.s32 $0x1;
	[smem:$0x7FF] =	sst s3;
	v0 =	vsel vm9, $0x4000, v0  }
0xb: {  	vm11 =	vcmask $0x2B28;
	s6 =	sand.u32 $0x1, s4;
	s4 =	stileid.u32;
	s5 =	sadd.s32 $0x800, s9;
	v0 =	vsel vm10, $0x4080, v0  }
.Ltmp0:
0xc: {  	vm12 =	vcmask $0x2F2C;
	s7 =	ssub.s32 $0x2, s6;
	s10 =	sshll.u32 s4, $0x1;
	v0 =	vsel vm11, $0x4100, v0;
	(pc) =	sbr.rel .LBB2_1-.Ltmp0, $4  }
0xd: {  	vm13 =	vcmask $0x3330;
	_ =	strace $0x80000047;
	s8 =	sshrl.u32 s7, $0x1;
	s6 =	sor.u32 s6, s10;
	v0 =	vsel vm12, $0x4180, v0  }
0xe: {  	vm14 =	vcmask $0x3734;
	s11 =	ssub.s32 s7, s8;
	s7 =	sadd.s32 $0x1E8C00, s9;
	s8 =	sadd.s32 $0xF4000, s0;
	v0 =	vsel vm13, $0x4200, v0  }
0xf: {  	vm15 =	vcmask $0x3B38;
	s9 =	sadd.s32 $0x1E8800, s9;
	p0 =	seq.s32 s6, $0x1F;
	p1 =	sne.s32 s6, $0x1E;
	v0 =	vsel vm14, $0x4280, v0  }
0x10: {  	s10 =	smax.u32 s11, $0x1;
	s11 =	simm.s32 $0x4000;
	s16 =	sadd.s32 $0xF4280, s8;
	v0 =	vsel vm15, $0x4300, v0  }
.LBB2_12:
0x11: {  	[tilespmem:s14], [sflag:$0x1] =	stream.linear.gather [hbm4b:s2+s3], $0x400, $0x38;
	[tilespmem:$0x10000] =	vst v63  }
0x12: {  	_ =	swait.ge [sflag:s15], $0x400  }
0x13: {  	[sflag:s15] =	ssyncset.done $0x0  }
0x14: {  	[sflag:s15] =	ssyncadd.s32 $0xFFFFFC00  }
0x15: {  	[hbm4b:s7+s3] =	stream.linear.scatter [tilespmem:s14], [sflag:$0x1], $0x400, $0x38;
	[tilespmem:$0x10000] =	vst v63  }
0x16: {  	_ =	swait.ge [sflag:s15], $0x400  }
0x17: {  	[sflag:s15] =	ssyncset.done $0x0  }
0x18: {  	[sflag:s15] =	ssyncadd.s32 $0xFFFFFC00  }
.LBB2_13:
0x19: {  	s17 =	sadd.s32 $0x1, s17  }
0x1a: {  	p2 =	sne.s32 s17, s10  }
.Ltmp1:
0x1b: {  	_ = 	snop;
	(pc) =	sbr.rel @!p2 .LBB2_14-.Ltmp1, $1  }
0x1c: {  	_ =	sdelay $0x3  }
.LBB2_1:
.Ltmp2:
0x1d: {  	(pc) =	sbr.rel .LBB2_2-.Ltmp2, $2  }
0x1e: {  	_ =	sdelay $0x2  }
0x1f: {  	s18 =	simm.s32 $0x0  }
.LBB2_6:
0x20: {  	s18 =	sadd.s32 $0x1, s18  }
0x21: {  	p2 =	sne.s32 s18, $0x10  }
.Ltmp3:
0x22: {  	_ = 	snop;
	(pc) =	sbr.rel @!p2 .LBB2_7-.Ltmp3, $1  }
0x23: {  	_ =	sdelay $0x3  }
.LBB2_2:
0x24: {  	s19 =	sshll.u32 s18, $0x5  }
0x25: {  	s19 =	sor.u32 s6, s19  }
0x26: {  	p2 =	sgt.u32 s19, $0x1E7  }
.Ltmp4:
0x27: {  	_ = 	snop;
	(pc) =	sbr.rel @p2 .LBB2_6-.Ltmp4, $1  }
0x28: {  	_ =	sdelay $0x3  }
0x29: {  	s20 =	simm.s32 $0x0  }
0x2a: {  	v1 =	vmov s20  }
0x2b: {  	v2 =	vshll.u32 v1, $0x3  }
0x2c: {  	v1 =	vand.u32 $0x7F, v1;
	v2 =	vand.u32 $0x3C00, v2  }
0x2d: {  	s21 =	sshll.u32 s19, $0xB;
	v1 =	vor.u32 v2, v1  }
0x2e: {  	s21 =	sadd.s32 s0, s21;
	v1 =	vor.u32 v0, v1  }
0x2f: {  	[tilespmem:s20], [sflag:$0x2] =	stream.strided.gather [hbm4b:s21+s11], $0x8000, s12, s11, $0x38;
	[tilespmem:$0x10000] =	vst v63  }
0x30: {  	_ =	swait.ge [sflag:s13], $0x8000;
	v2 =	vmov s22  }
0x31: {  	[sflag:s13] =	ssyncset.done $0x0;
	v3 =	vshll.u32 v2, $0x3  }
0x32: {  	v2 =	vand.u32 $0x7F, v2;
	[sflag:s13] =	ssyncadd.s32 $0xFFFF8000;
	v3 =	vand.u32 $0x3C00, v3  }
0x33: {  	v3 =	vor.u32 v3, v2;
	v2 =	vld.idx.msk [tilespmem:v1+s3+$0x0], $0xffff  }
0x34: {  	v1 =	vor.u32 v0, v3;
	_ =	sdelay $0x1  }
0x35: {  	s31 =	simm.s32 $0x2  }
0x36: {  	s20 =	simm.s32 $0x8000;
	s21 =	simm.s32 $0x3;
	v3 =	vmov s31  }
.LBB2_4:
0x37: {  	p2 =	sne.s32 s21, $0x7FF;
	v4 =	vshll.u32 v3, $0x3;
	[tilespmem:s20+$0x0] =	vst v2  }
0x38: {  	v3 =	vand.u32 $0x7F, v3;
	v4 =	vand.u32 $0x3C00, v4;
	v2 =	vld.idx.msk [tilespmem:v1+s3+$0x0], $0xffff  }
.Ltmp5:
0x39: {  	v1 =	vor.u32 v4, v3;
	(pc) =	sbr.rel @p2 .LBB2_4-.Ltmp5, $2  }
0x3a: {  	v1 =	vor.u32 v0, v1;
	_ =	sdelay $0x2  }
0x3b: {  	s20 =	sadd.s32 $0x10, s20;
	v3 =	vmov s21;
	s21 =	sadd.s32 $0x1, s21  }
0x3c: {  	_ =	sdelay $0x1  }
0x3d: {  	v4 =	vshll.u32 v3, $0x3  }
0x3e: {  	[tilespmem:s20+$0x0] =	vst v2;
	v2 =	vand.u32 $0x7F, v3;
	v3 =	vand.u32 $0x3C00, v4  }
0x3f: {  	v1 =	vld.idx.msk [tilespmem:v1+s3+$0x0], $0xffff;
	v2 =	vor.u32 v3, v2  }
0x40: {  	v2 =	vor.u32 v0, v2;
	_ =	sdelay $0x2  }
0x41: {  	s31 =	sadd.s32 $0x10, s20  }
0x42: {  	[tilespmem:s31+$0x0] =	vst v1  }
0x43: {  	v1 =	vld.idx.msk [tilespmem:v2+s3+$0x0], $0xffff;
	_ =	sdelay $0x3  }
0x44: {  	s19 =	sshll.u32 s19, $0xC;
	s20 =	sadd.s32 $0x10, s31  }
.Ltmp6:
0x45: {  	s19 =	sadd.s32 s5, s19;
	[tilespmem:s20+$0x0] =	vst v1;
	(pc) =	sbr.rel .LBB2_6-.Ltmp6, $4  }
0x46: {  	[hbm4b:s19+s3] =	stream.linear.scatter [tilespmem:s14], [sflag:$0x1], $0x8000, $0x38;
	[tilespmem:$0x10000] =	vst v63  }
0x47: {  	_ =	swait.ge [sflag:s15], $0x8000  }
0x48: {  	[sflag:s15] =	ssyncset.done $0x0  }
0x49: {  	[sflag:s15] =	ssyncadd.s32 $0xFFFF8000  }
.LBB2_7:
.Ltmp7:
0x4a: {  	(pc) =	sbr.rel @p0 .LBB2_12-.Ltmp7, $1  }
0x4b: {  	_ =	sdelay $0x3  }
.Ltmp8:
0x4c: {  	(pc) =	sbr.rel @p1 .LBB2_13-.Ltmp8, $1  }
0x4d: {  	_ =	sdelay $0x3  }
0x4e: {  	s18 =	simm.s32 $0x0  }
0x4f: {  	v1 =	vmov s18  }
0x50: {  	v2 =	vshll.u32 v1, $0x3  }
0x51: {  	v1 =	vand.u32 $0x7F, v1;
	v2 =	vand.u32 $0xC00, v2  }
0x52: {  	[tilespmem:s18], [sflag:$0x1] =	stream.linear.gather [hbm4b:s8+s18], $0x1000, $0x38;
	v1 =	vor.u32 v2, v1;
	[tilespmem:$0x10000] =	vst v63  }
0x53: {  	s19 =	simm.s32 $0x1;
	v1 =	vor.u32 v0, v1  }
0x54: {  	[tilespmem:s11], [sflag:$0x1] =	stream.linear.gather [hbm4b:s16+s18], $0x1000, $0x38;
	[tilespmem:$0x10000] =	vst v63  }
0x55: {  	v2 =	vmov s19;
	_ =	swait.ge [sflag:s15], $0x2000  }
0x56: {  	v3 =	vshll.u32 v2, $0x3;
	[sflag:s15] =	ssyncset.done $0x0  }
0x57: {  	v2 =	vand.u32 $0x7F, v2;
	v3 =	vand.u32 $0xC00, v3;
	[sflag:s15] =	ssyncadd.s32 $0xFFFFE000  }
0x58: {  	v3 =	vor.u32 v3, v2;
	v2 =	vld.idx.msk [tilespmem:v1+s3+$0x0], $0xffff  }
0x59: {  	v1 =	vor.u32 v0, v3;
	_ =	sdelay $0x1  }
0x5a: {  	s31 =	simm.s32 $0x2  }
0x5b: {  	s18 =	simm.s32 $0x8000;
	s19 =	simm.s32 $0x3;
	v3 =	vmov s31  }
.LBB2_10:
0x5c: {  	p2 =	sne.s32 s19, $0x1FF;
	v4 =	vshll.u32 v3, $0x3;
	[tilespmem:s18+$0x0] =	vst v2  }
0x5d: {  	v3 =	vand.u32 $0x7F, v3;
	v4 =	vand.u32 $0xC00, v4;
	v2 =	vld.idx.msk [tilespmem:v1+s3+$0x0], $0xffff  }
.Ltmp9:
0x5e: {  	v1 =	vor.u32 v4, v3;
	(pc) =	sbr.rel @p2 .LBB2_10-.Ltmp9, $2  }
0x5f: {  	v1 =	vor.u32 v0, v1;
	_ =	sdelay $0x2  }
0x60: {  	s18 =	sadd.s32 $0x10, s18;
	v3 =	vmov s19;
	s19 =	sadd.s32 $0x1, s19  }
0x61: {  	_ =	sdelay $0x1  }
0x62: {  	v4 =	vshll.u32 v3, $0x3  }
0x63: {  	[tilespmem:s18+$0x0] =	vst v2;
	v2 =	vand.u32 $0x7F, v3;
	v3 =	vand.u32 $0xC00, v4  }
0x64: {  	v1 =	vld.idx.msk [tilespmem:v1+s3+$0x0], $0xffff;
	v2 =	vor.u32 v3, v2  }
0x65: {  	v2 =	vor.u32 v0, v2;
	_ =	sdelay $0x2  }
0x66: {  	s31 =	sadd.s32 $0x10, s18  }
0x67: {  	[tilespmem:s31+$0x0] =	vst v1  }
0x68: {  	v1 =	vld.idx.msk [tilespmem:v2+s3+$0x0], $0xffff;
	_ =	sdelay $0x3  }
0x69: {  	s18 =	sadd.s32 $0x10, s31  }
.Ltmp10:
0x6a: {  	[tilespmem:s18+$0x0] =	vst v1;
	(pc) =	sbr.rel .LBB2_13-.Ltmp10, $4  }
0x6b: {  	[hbm4b:s9+s3] =	stream.linear.scatter [tilespmem:s14], [sflag:$0x1], $0x2000, $0x38;
	[tilespmem:$0x10000] =	vst v63  }
0x6c: {  	_ =	swait.ge [sflag:s15], $0x2000  }
0x6d: {  	[sflag:s15] =	ssyncset.done $0x0  }
0x6e: {  	[sflag:s15] =	ssyncadd.s32 $0xFFFFE000  }
.LBB2_14:
0x6f: {  	_ =	sfence.sel $0x180000  }
0x70: {  	[bflag:$0x0] =	sbarrier.arrive $0xFFFF  }
0x71: {  	p0 =	sne.s32 s4, $0x0;
	_ =	strace $0x90000047  }
0x72: {  	s0 =	sadd.s32 @!p0 $0x100000, s1;
	[bflag:$0x2] =	sbarrier.arrive $0xFFFF  }
0x73: {  	[sflag:s0] =	ssyncadd.tile.s32 @!p0 $0x1;
	_ =	shalt  }
.Lfunc_end2:
_tile_overlayer_lowered:
.L_overlay_start_2:
0x74: {  	(tag) =	ssettag $0x2  }
0x75: {  	s0 =	rddreg [dreg:$0x0];
	s2 =	stileid.u32  }
0x76: {  	s1 =	rddreg [dreg:$0x1];
	p0 =	sne.s32 s2, $0x0  }
0x77: {  	s3 =	rddreg [dreg:$0x2];
	[bflag:$0x3] =	sbarrier.arrive $0xFFFF;
	s2 =	simm.s32 @!p0 $0x1C01  }
0x78: {  	[timem:s3], [sflag:s2] =	dma.local @!p0 [hbm:s0], s1  }
0x79: {  	s0 =	simm.s32 @!p0 $0x1  }
0x7a: {  	_ =	swait.ge @!p0 [sflag:s0], s1  }
0x7b: {  	s1 =	ssub.s32 @!p0 $0x0, s1;
	[sflag:s0] =	ssyncset.done @!p0 $0x0  }
0x7c: {  	[sflag:s0] =	ssyncadd.s32 @!p0 s1  }
0x7d: {  	[bflag:$0x3] =	sbarrier.arrive $0xFFFF  }
0x7e: {  	_ =	shalt  }

// kernel: kernel.7.cloned.1.call-start
scs
__scs_entry_jumppad:
0x0: {  	(pc) =	sbr.rel $0x88, $3  }
0x1: {  	(tag) =	ssettag $0x0;
	lr =	simm.s32 $0x1  }
0x2: {  	[smem:$0x3F9F] =	sst lr;
	_ =	strace $0xD0000000  }
0x3: {  	_ = 	snop  }
0x4: {  	_ = 	snop  }
0x5: {  	_ = 	snop  }
0x6: {  	_ = 	snop  }
0x7: {  	_ = 	snop  }
__scs_overlays_trampoline_lowered:
0x8: {  	[smem:$0x3FAE] =	sst s0  }
0x9: {  	[smem:$0x3FAF] =	sst s1  }
0xa: {  	[smem:$0x3FB0] =	sst s2  }
0xb: {  	[smem:$0x3FB1] =	sst s3  }
0xc: {  	[smem:$0x3FB2] =	sst s4  }
0xd: {  	[smem:$0x3FB3] =	sst s5  }
0xe: {  	[smem:$0x3FB4] =	sst s6  }
0xf: {  	[smem:$0x3FB5] =	sst s7  }
0x10: {  	[smem:$0x3FB6] =	sst s8  }
0x11: {  	[smem:$0x3FB7] =	sst s9;
	s0 =	simm.s32 @!p0 $0x0  }
0x12: {  	s1 =	sld [smem:$0x3F9D];
	s0 =	simm.s32 @p0 $0x1  }
0x13: {  	[smem:$0x3FB8] =	sst s0;
	s0 =	simm.s32 @!p1 $0x0  }
0x14: {  	s2 =	sld [smem:$0x3F9C];
	s0 =	simm.s32 @p1 $0x1  }
0x15: {  	[smem:$0x3FB9] =	sst s0;
	s0 =	simm.s32 @!p2 $0x0  }
0x16: {  	s3 =	sld [smem:$0x3FDB];
	s0 =	simm.s32 @p2 $0x1  }
0x17: {  	s4 =	simm.s32 $0x1BF5;
	[smem:$0x3FBB] =	sst s0  }
0x18: {  	s0 =	sld [smem:$0x3F9E];
	_ =	swait.ge [sflag:s4], $0x0  }
0x19: {  	s7 =	sld [smem:$0x3F9F]  }
0x1a: {  	s8 =	sadd.s32 $0xFFFFE003, lr  }
0x1b: {  	s9 =	sadd.s32 $0xFFFFFEF7, lr;
	s5 =	simm.s32 $0xFFFFFFFF;
	p2 =	slt.u32 s8, $0xFFFFF086  }
0x1c: {  	p1 =	slt.u32 s9, $0xF7A;
	s5 =	simm.s32 @!p2 $0x0  }
0x1d: {  	s5 =	simm.s32 @p1 $0x1;
	p0 =	seq.s32 s7, s2  }
0x1e: {  	s7 =	smul.u32 @!p0 $0xF7A, s2;
	p2 =	seq.s32 @!p0 s5, $0x0  }
0x1f: {  	s9 =	smul.u32 $0xF7A, s1;
	s8 =	simm.s32 @!p0 $0x1BF5;
	p2 =	por !p2, p0  }
0x20: {  	[sflag:s8] =	ssyncset.s32 @!p0 $0xFFFFF086;
	s6 =	sadd.s32 @!p0 s3, s7;
	s7 =	simm.s32 @!p0 $0x108  }
0x21: {  	s3 =	sadd.s32 s3, s9;
	s6 =	sadd.s32 @!p0 $0x88, s6;
	s7 =	simm.s32 @p2 $0x1082  }
0x22: {  	[simem:s7], [sflag:s8] =	dma.local @!p0 [hbm:s6], $0xF7A  }
0x23: {  	s9 =	sor.u32 $0xD0000000, s2;
	s6 =	simm.s32 $0x108;
	_ =	swait.ge @!p0 [sflag:s8], $0x0  }
0x24: {  	s3 =	sadd.s32 $0x88, s3;
	s6 =	simm.s32 @!p1 $0x1082;
	[sflag:s4] =	ssyncset.s32 $0xFFFFF086  }
0x25: {  	[simem:s6], [sflag:s4] =	dma.local [hbm:s3], $0xF7A  }
0x26: {  	[smem:$0x3F9F] =	sst s1;
	(tag) =	ssettag s2;
	_ =	strace s9  }
0x27: {  	s1 =	sld [smem:$0x3FAF]  }
0x28: {  	s2 =	sld [smem:$0x3FB0]  }
0x29: {  	s4 =	sld [smem:$0x3FB2]  }
0x2a: {  	p0 =	seq.s32 s5, $0x0;
	s5 =	sld [smem:$0x3FB3]  }
0x2b: {  	s6 =	sld [smem:$0x3FB4]  }
0x2c: {  	s7 =	sld [smem:$0x3FB5]  }
0x2d: {  	s3 =	simm.s32 $0x108;
	s8 =	sld [smem:$0x3FB6]  }
0x2e: {  	s3 =	simm.s32 @!p0 $0x1082;
	s9 =	sld [smem:$0x3FB7]  }
0x2f: {  	lr =	sadd.s32 s0, s3;
	s0 =	sld [smem:$0x3FAE]  }
0x30: {  	s3 =	sld [smem:$0x3FB1]  }
0x31: {  	[smem:$0x3FBA] =	sst s10  }
0x32: {  	s10 =	sld [smem:$0x3FB8];
	_ =	sdelay $0x3  }
0x33: {  	p0 =	seq.s32 s10, $0x1;
	s10 =	sld [smem:$0x3FBA];
	_ =	sdelay $0x3  }
0x34: {  	[smem:$0x3FBA] =	sst s10  }
0x35: {  	s10 =	sld [smem:$0x3FB9];
	_ =	sdelay $0x3  }
0x36: {  	p1 =	seq.s32 s10, $0x1;
	s10 =	sld [smem:$0x3FBA];
	_ =	sdelay $0x3  }
0x37: {  	[smem:$0x3FBA] =	sst s10  }
0x38: {  	s10 =	sld [smem:$0x3FBB]  }
0x39: {  	_ = 	snop;
	(pc) =	sbr.ind lr, $3  }
0x3a: {  	_ = 	snop  }
0x3b: {  	_ = 	snop  }
0x3c: {  	p2 =	seq.s32 s10, $0x1;
	s10 =	sld [smem:$0x3FBA]  }
0x3d: {  	_ =	shalt  }
0x3e: {  	_ =	shalt  }
0x3f: {  	_ =	shalt  }
0x40: {  	_ =	shalt  }
0x41: {  	_ =	shalt  }
0x42: {  	_ =	shalt  }
0x43: {  	_ =	shalt  }
0x44: {  	_ =	shalt  }
0x45: {  	_ =	shalt  }
0x46: {  	_ =	shalt  }
0x47: {  	_ =	shalt  }
0x48: {  	_ =	shalt  }
0x49: {  	_ =	shalt  }
0x4a: {  	_ =	shalt  }
0x4b: {  	_ =	shalt  }
0x4c: {  	_ =	shalt  }
0x4d: {  	_ =	shalt  }
0x4e: {  	_ =	shalt  }
0x4f: {  	_ =	shalt  }
0x50: {  	_ =	shalt  }
0x51: {  	_ =	shalt  }
0x52: {  	_ =	shalt  }
0x53: {  	_ =	shalt  }
0x54: {  	_ =	shalt  }
0x55: {  	_ =	shalt  }
0x56: {  	_ =	shalt  }
0x57: {  	_ =	shalt  }
0x58: {  	_ =	shalt  }
0x59: {  	_ =	shalt  }
0x5a: {  	_ =	shalt  }
0x5b: {  	_ =	shalt  }
0x5c: {  	_ =	shalt  }
0x5d: {  	_ =	shalt  }
0x5e: {  	_ =	shalt  }
0x5f: {  	_ =	shalt  }
0x60: {  	_ =	shalt  }
0x61: {  	_ =	shalt  }
0x62: {  	_ =	shalt  }
0x63: {  	_ =	shalt  }
0x64: {  	_ =	shalt  }
0x65: {  	_ =	shalt  }
0x66: {  	_ =	shalt  }
0x67: {  	_ =	shalt  }
0x68: {  	_ =	shalt  }
0x69: {  	_ =	shalt  }
0x6a: {  	_ =	shalt  }
0x6b: {  	_ =	shalt  }
0x6c: {  	_ =	shalt  }
0x6d: {  	_ =	shalt  }
0x6e: {  	_ =	shalt  }
0x6f: {  	_ =	shalt  }
0x70: {  	_ =	shalt  }
0x71: {  	_ =	shalt  }
0x72: {  	_ =	shalt  }
0x73: {  	_ =	shalt  }
0x74: {  	_ =	shalt  }
0x75: {  	_ =	shalt  }
0x76: {  	_ =	shalt  }
0x77: {  	_ =	shalt  }
0x78: {  	_ =	shalt  }
0x79: {  	_ =	shalt  }
0x7a: {  	_ =	shalt  }
0x7b: {  	_ =	shalt  }
0x7c: {  	_ =	shalt  }
0x7d: {  	_ =	shalt  }
0x7e: {  	_ =	shalt  }
0x7f: {  	_ =	shalt  }
0x80: {  	_ =	shalt  }
0x81: {  	_ =	shalt  }
0x82: {  	_ =	shalt  }
0x83: {  	_ =	shalt  }
0x84: {  	_ =	shalt  }
0x85: {  	_ =	shalt  }
0x86: {  	_ =	shalt  }
0x87: {  	_ =	shalt  }
.Lfunc_end0:
.L_simem_size_0:
called_computation.1_lowered:
.L_overlay_start_0:
0x88: {  	s2 =	sld [smem:$0x3FD9]  }
0x89: {  	s3 =	sld [smem:$0x3FFE];
	_ =	sdelay $0x1  }
0x8a: {  	s1 =	srdreg.scid  }
0x8b: {  	s0 =	sand.u32 $0x1, s1  }
0x8c: {  	s17 =	sshll.u32 s0, $0xA;
	s2 =	sadd.s32 s3, s2  }
0x8d: {  	s2 =	sadd.s32 s2, s17  }
0x8e: {  	[smem:$0x3FC6] =	sst s2  }
0x8f: {  	_ = 	snop  }
0x90: {  	s2 =	sld [smem:$0x3FC9]  }
0x91: {  	s18 =	sld [smem:$0x3FD0];
	(tm) =	ssettm $0x1  }
0x92: {  	s4 =	sld [smem:$0x3FFB];
	_ =	sdelay $0x3  }
0x93: {  	_ =	strace s4  }
0x94: {  	s4 =	sld [smem:$0x3FFC];
	_ =	sdelay $0x3  }
0x95: {  	_ =	strace s4  }
0x96: {  	s4 =	sld [smem:$0x3FFD];
	_ =	sdelay $0x3  }
0x97: {  	_ =	strace s4  }
0x98: {  	_ =	strace $0x8FFFFFFF  }
0x99: {  	s19 =	sld [smem:$0x3FDB];
	_ =	sdelay $0x1  }
0x9a: {  	s5 =	simm.s32 $_scs_section_size  }
0x9b: {  	s6 =	simm.s32 $_size__tile_overlayer_lowered;
	s7 =	simm.s32 $_tile_overlayer_lowered  }
0x9c: {  	s22 =	simm.s32 $0x1BFF;
	s21 =	sshll.u32 s7, $0x1;
	s4 =	sadd.s32 s5, s19  }
0x9d: {  	s8 =	simm.s32 $0x0;
	s20 =	sshll.u32 s6, $0x1;
	s6 =	sadd.s32 s21, s4  }
0x9e: {  	[timem:s8], [sflag:s22] =	dma.local [hbm:s6], s20  }
0x9f: {  	_ =	swait.ge [sflag:s22], s20  }
0xa0: {  	s5 =	ssub.s32 $0x0, s20;
	[sflag:s22] =	ssyncset.done $0x0  }
0xa1: {  	[sflag:s22] =	ssyncadd.s32 s5;
	_ =	sdelay $0x1  }
0xa2: {  	s23 =	simm.s32 $0x1B8B  }
0xa3: {  	_ =	swait.ge [sflag:s23], $0x1  }
0xa4: {  	[sflag:s23] =	ssyncset.done $0x0  }
0xa5: {  	s25 =	simm.s32 $0x1B8E;
	s24 =	sld [smem:$0x3FFE];
	[sflag:s23] =	ssyncadd.s32 $0xFFFFFFFF  }
0xa6: {  	s26 =	simm.s32 $execute0_lowered;
	[smem:$0x3FD2] =	sst s25  }
0xa7: {  	s6 =	sshll.u32 s26, $0x1;
	_ =	strace $0x80000049;
	[dreg:$0x1] =	wrdreg $0xFFFFFFFF  }
0xa8: {  	s28 =	simm.s32 $_size_execute0_lowered;
	s4 =	sadd.s32 s4, s6;
	[dreg:$0x0] =	wrdreg $0x0  }
0xa9: {  	s6 =	sshll.u32 s28, $0x1;
	[dreg:$0x2] =	wrdreg s4  }
0xaa: {  	[dreg:$0x3] =	wrdreg s6  }
0xab: {  	[dreg:$0x4] =	wrdreg $0xC0  }
0xac: {  	_ =	task [dreg:s8], $0x5FFFF  }
0xad: {  	[dreg:$0x1] =	wrdreg $0xFFFFFFFF  }
0xae: {  	[dreg:$0x0] =	wrdreg $0x60  }
0xaf: {  	[dreg:$0x2] =	wrdreg s24  }
0xb0: {  	[dreg:$0x3] =	wrdreg s2  }
0xb1: {  	[dreg:$0x4] =	wrdreg s18  }
0xb2: {  	[dreg:$0x5] =	wrdreg $0x9  }
0xb3: {  	_ =	task.clear_ibuf [dreg:s8], $0x6FFFF;
	_ =	strace $0x90000049  }
0xb4: {  	s29 =	simm.s32 $0x9;
	_ =	strace $0x8000004B  }
0xb5: {  	_ =	swait.ge [sflag:s29], $0x1  }
0xb6: {  	[sflag:s29] =	ssyncadd.s32 $0xFFFFFFFF  }
0xb7: {  	_ =	strace $0x9000004B  }
0xb8: {  	_ =	sfence  }
0xb9: {  	s30 =	sld [smem:$0x0];
	_ =	sdelay $0x2  }
0xba: {  	s31 =	sshll.u32 s1, $0xD;
	s1 =	sshrl.u32 s1, $0x2  }
0xbb: {  	s3 =	sand.u32 $0x4000, s31;
	s1 =	sadd.s32 s1, s30  }
0xbc: {  	s0 =	sor.u32 s3, s0;
	s1 =	sshll.u32 s1, $0x11  }
0xbd: {  	s0 =	sor.u32 s1, s0  }
0xbe: {  	s0 =	sadd.s32 $0x8F2B, s0  }
0xbf: {  	[sflag:s0] =	ssyncadd.remote.s32 $0x1  }
0xc0: {  	_ =	sfence.sel $0xFFFF  }
0xc1: {  	[dreg:$0x0] =	wrdreg $0xFFFFFFFF;
	(pc) =	sbr.abs _section_cstart, $3  }
0xc2: {  	[dreg:$0x1] =	wrdreg $0xFFFFFFFF  }
0xc3: {  	_ =	task.clear_ibuf [dreg:s8], $0x2FFFF;
	_ =	strace $0x9FFFFFFF  }
0xc4: {  	(tm) =	ssettm $0x7FFFFFFF  }
0xc5: {  	_ =	shalt  }
tec
execute0_lowered:
.L_overlay_start_1:
0x0: {  	(tag) =	ssettag $0x1  }
0x1: {  	s5 =	rddreg [dreg:$0x0]  }
0x2: {  	s1 =	srdreg.scid;
	s3 =	rddreg [dreg:$0x1]  }
0x3: {  	s0 =	stileid.u32;
	s8 =	rddreg [dreg:$0x2];
	s6 =	sand.u32 $0x1, s1  }
0x4: {  	s2 =	simm.s32 $0x0;
	s4 =	sshll.u32 s0, $0xA;
	s7 =	sshll.u32 s6, $0x9  }
0x5: {  	[smem:$0x7FF] =	sst s2;
	s9 =	sor.u32 s7, s4  }
0x6: {  	s1 =	rddreg [dreg:$0x3];
	_ =	strace $0x8000004A;
	s4 =	sshrl.u32 s9, $0x3  }
0x7: {  	s10 =	ssub.s32 $0x2, s6;
	s4 =	sadd.s32 s3, s4;
	s3 =	simm.s32 $0x2  }
0x8: {  	[tilespmem:s2], [sflag:$0x2] =	stream.linear.gather [hbm4b:s4+s2], $0x200, $0x38;
	[tilespmem:$0x2200] =	vst v63  }
0x9: {  	s5 =	sadd.s32 $0x800, s5;
	s11 =	sshrl.u32 s10, $0x1;
	_ =	swait.ge [sflag:s3], $0x200  }
0xa: {  	s6 =	simm.s32 $0x200;
	s10 =	ssub.s32 s10, s11;
	[sflag:s3] =	ssyncset.done $0x0  }
0xb: {  	s7 =	simm.s32 $0x1;
	s31 =	smax.u32 s10, $0x1;
	[sflag:s3] =	ssyncadd.s32 $0xFFFFFE00  }
0xc: {  	[tilespmem:s6], [sflag:$0x1] =	stream.indirect.gather [hbm4b:s5+s6], $0x10, s2, s6, $0xb8;
	[tilespmem:$0x2200] =	vst v63  }
0xd: {  	p0 =	sne.s32 s31, $0x1;
	_ =	swait.ge [sflag:s7], $0x2000  }
.Ltmp0:
0xe: {  	s9 =	sshll.u32 s9, $0x1;
	[sflag:s7] =	ssyncset.done $0x0;
	(pc) =	sbr.rel @!p0 .LBB2_2-.Ltmp0, $4  }
0xf: {  	s8 =	sadd.s32 s8, s9;
	[sflag:s7] =	ssyncadd.s32 $0xFFFFE000  }
0x10: {  	[hbm4b:s8+s2] =	stream.linear.scatter [tilespmem:s6], [sflag:$0x2], $0x2000, $0x38;
	[tilespmem:$0x2200] =	vst v63  }
0x11: {  	_ =	swait.ge [sflag:s3], $0x2000  }
0x12: {  	s9 =	sadd.s32 $0xFFFFFFFF, s31;
	[sflag:s3] =	ssyncset.done $0x0  }
.LBB2_1:
0x13: {  	p0 =	sne.s32 s9, $0x1;
	s9 =	sadd.s32 $0xFFFFFFFF, s9;
	[sflag:s3] =	ssyncadd.s32 $0xFFFFE000  }
0x14: {  	[tilespmem:s2], [sflag:$0x2] =	stream.linear.gather [hbm4b:s4+s2], $0x200, $0x38;
	[tilespmem:$0x2200] =	vst v63  }
0x15: {  	_ =	swait.ge [sflag:s3], $0x200  }
0x16: {  	[sflag:s3] =	ssyncset.done $0x0  }
0x17: {  	[sflag:s3] =	ssyncadd.s32 $0xFFFFFE00  }
0x18: {  	[tilespmem:s6], [sflag:$0x1] =	stream.indirect.gather [hbm4b:s5+s6], $0x10, s2, s6, $0xb8;
	[tilespmem:$0x2200] =	vst v63  }
0x19: {  	_ =	swait.ge [sflag:s7], $0x2000  }
.Ltmp1:
0x1a: {  	[sflag:s7] =	ssyncset.done $0x0;
	(pc) =	sbr.rel @p0 .LBB2_1-.Ltmp1, $4  }
0x1b: {  	[sflag:s7] =	ssyncadd.s32 $0xFFFFE000  }
0x1c: {  	[hbm4b:s8+s2] =	stream.linear.scatter [tilespmem:s6], [sflag:$0x2], $0x2000, $0x38;
	[tilespmem:$0x2200] =	vst v63  }
0x1d: {  	_ =	swait.ge [sflag:s3], $0x2000  }
0x1e: {  	[sflag:s3] =	ssyncset.done $0x0  }
.LBB2_2:
0x1f: {  	[sflag:s3] =	ssyncadd.s32 $0xFFFFE000  }
0x20: {  	_ =	sfence.sel $0x180000  }
0x21: {  	[bflag:$0x0] =	sbarrier.arrive $0xFFFF  }
0x22: {  	p0 =	sne.s32 s0, $0x0;
	_ =	strace $0x9000004A  }
0x23: {  	s0 =	sadd.s32 @!p0 $0x100000, s1;
	[bflag:$0x2] =	sbarrier.arrive $0xFFFF  }
0x24: {  	[sflag:s0] =	ssyncadd.tile.s32 @!p0 $0x1;
	_ =	shalt  }
.Lfunc_end2:
_tile_overlayer_lowered:
.L_overlay_start_2:
0x25: {  	(tag) =	ssettag $0x2  }
0x26: {  	s0 =	rddreg [dreg:$0x0];
	s2 =	stileid.u32  }
0x27: {  	s1 =	rddreg [dreg:$0x1];
	p0 =	sne.s32 s2, $0x0  }
0x28: {  	s3 =	rddreg [dreg:$0x2];
	[bflag:$0x3] =	sbarrier.arrive $0xFFFF;
	s2 =	simm.s32 @!p0 $0x1C02  }
0x29: {  	[timem:s3], [sflag:s2] =	dma.local @!p0 [hbm:s0], s1  }
0x2a: {  	s0 =	simm.s32 @!p0 $0x2  }
0x2b: {  	_ =	swait.ge @!p0 [sflag:s0], s1  }
0x2c: {  	s1 =	ssub.s32 @!p0 $0x0, s1;
	[sflag:s0] =	ssyncset.done @!p0 $0x0  }
0x2d: {  	[sflag:s0] =	ssyncadd.s32 @!p0 s1  }
0x2e: {  	[bflag:$0x3] =	sbarrier.arrive $0xFFFF  }
0x2f: {  	_ =	shalt  }

</sc_bundles>
